<compile_context>
chip_gen: v7x
topology: tpu7x:2x2x1
jax: 0.10.2.dev20260603
libtpu: 0.0.44.dev20260713+nightly
codegen_flags: <defaults>
</compile_context>

<pallas_src>
import jax
import jax.numpy as jnp
from jax import lax
from jax.experimental import pallas as pl
from jax.experimental.pallas import tpu as pltpu


def _tc_body(cn_smem, knn_blk, psix_ref, psiy_ref, cx_ref, cy_ref,
             vis_ref, dem_ref, cn_ref, cap_ref, used_ref, p_ref,
             lp_ref, mask_ref,
             knn_v):
    bb, n1 = dem_ref.shape
    k = knn_v.shape[1]
    row0 = pl.program_id(0) * bb

    knn_v[...] = knn_blk[...]

    vis = vis_ref[...]
    dem = dem_ref[...]
    cap = cap_ref[...]
    used = used_ref[...]
    rem = cap - used

    col = lax.broadcasted_iota(jnp.int32, (bb, n1), 1)
    m0 = vis | (dem > rem)
    cn = cn_ref[...]
    at_depot = cn == 0
    has_cust = jnp.any((~m0) & (col > 0), axis=1, keepdims=True)
    is0 = col == 0
    mask = (is0 & at_depot & has_cust) | ((~is0) & m0)

    cx = cx_ref[...]
    cy = cy_ref[...]
    sel = col == cn
    zero = jnp.float32(0.0)
    ccx = jnp.sum(jnp.where(sel, cx, zero), axis=1, keepdims=True)
    ccy = jnp.sum(jnp.where(sel, cy, zero), axis=1, keepdims=True)

    vis_frac = jnp.sum(vis.astype(jnp.float32), axis=1, keepdims=True) / jnp.float32(n1)
    lam = p_ref[0]
    mu = p_ref[1]
    step_frac = p_ref[2]
    q0 = (ccx * p_ref[5] + ccy * p_ref[7] + rem * p_ref[9] + used * p_ref[11]
          + step_frac * p_ref[13] + vis_frac * p_ref[15] + p_ref[3])
    q1 = (ccx * p_ref[6] + ccy * p_ref[8] + rem * p_ref[10] + used * p_ref[12]
          + step_frac * p_ref[14] + vis_frac * p_ref[16] + p_ref[4])

    amp = psix_ref[...] * q0 + psiy_ref[...] * q1
    dx = cx - ccx
    dy = cy - ccy
    dist = jnp.sqrt(dx * dx + dy * dy)
    scores = lam * amp - mu * dist

    knn = knn_v[...]
    kmask = is0
    for j in range(k):
        kmask = kmask | (col == knn[:, j:j + 1])

    neg = jnp.float32(-1e9)
    ms = jnp.where(mask | (~kmask), neg, scores)
    mx = jnp.max(ms, axis=1, keepdims=True)
    shifted = ms - mx
    e = jnp.exp(shifted)
    lp_ref[...] = shifted - jnp.log(jnp.sum(e, axis=1, keepdims=True))
    mask_ref[...] = mask


def kernel(psi_prime, knn_indices, coords, visited, demands, capacity,
           used_capacity, current_node, step, n_customers, W_ctx, b_ctx, lam, mu):
    b, n1, _ = psi_prime.shape
    k = knn_indices.shape[-1]

    knn_cur = knn_indices[jnp.arange(b)[:, None], current_node[:, None], jnp.arange(k)[None, :]]
    psi_x = psi_prime[:, :, 0]
    psi_y = psi_prime[:, :, 1]
    cx = coords[:, :, 0]
    cy = coords[:, :, 1]

    step_f = jnp.asarray(step).astype(jnp.float32)
    denom_f = jnp.maximum(jnp.asarray(n_customers), 1).astype(jnp.float32)
    step_frac = step_f / denom_f
    params = jnp.concatenate([
        jnp.stack([lam.astype(jnp.float32), mu.astype(jnp.float32), step_frac,
                   b_ctx[0], b_ctx[1]]),
        W_ctx.reshape(-1),
    ])

    cn_i32 = current_node.astype(jnp.int32)

    bb = 64
    grid = (b // bb,)
    row = lambda i: (i, 0)
    log_probs, mask = pl.pallas_call(
        _tc_body,
        grid=grid,
        in_specs=[
            pl.BlockSpec(memory_space=pltpu.SMEM),
            pl.BlockSpec((bb, k), row),
            pl.BlockSpec((bb, n1), row),
            pl.BlockSpec((bb, n1), row),
            pl.BlockSpec((bb, n1), row),
            pl.BlockSpec((bb, n1), row),
            pl.BlockSpec((bb, n1), row),
            pl.BlockSpec((bb, n1), row),
            pl.BlockSpec((bb, 1), row),
            pl.BlockSpec((bb, 1), row),
            pl.BlockSpec((bb, 1), row),
            pl.BlockSpec(memory_space=pltpu.SMEM),
        ],
        out_specs=[
            pl.BlockSpec((bb, n1), row),
            pl.BlockSpec((bb, n1), row),
        ],
        out_shape=[
            jax.ShapeDtypeStruct((b, n1), jnp.float32),
            jax.ShapeDtypeStruct((b, n1), jnp.bool_),
        ],
        scratch_shapes=[
            pltpu.VMEM((bb, k), jnp.int32),
        ],
    )(cn_i32, knn_cur, psi_x, psi_y, cx, cy, visited, demands,
      cn_i32.reshape(b, 1), capacity.reshape(b, 1), used_capacity.reshape(b, 1),
      params)
    return (log_probs, mask)

# --- scband reference (transcript-rebuilt; emitter-appended) ---
"""Pipeline reference for scband-qapdecoder-4226247819607 (READ-ONLY COPY).

The authoritative reference and input builder live on the scoring server;
editing this copy changes nothing except your own understanding.
"""

import jax, jax.numpy as jnp
import numpy as np

B = 1024
N1 = 1001  # n_customers + depot
K = 16
CTX = 6
ED = 2


def setup_inputs(seed: int = 0) -> dict:
    key = jax.random.key(seed)
    ks = jax.random.split(key, 8)
    psi_prime = jax.random.normal(ks[0], (B, N1, ED), dtype=jnp.float32)
    knn_indices = jax.random.randint(ks[1], (B, N1, K), 0, N1, dtype=jnp.int32)
    coords = jax.random.uniform(ks[2], (B, N1, 2), dtype=jnp.float32)
    visited = jnp.zeros((B, N1), dtype=bool)
    demands = jax.random.uniform(ks[3], (B, N1), dtype=jnp.float32)
    capacity = jnp.ones((B,), dtype=jnp.float32)
    used_capacity = jnp.zeros((B,), dtype=jnp.float32)
    current_node = jax.random.randint(ks[4], (B,), 0, N1, dtype=jnp.int32)
    # learned parameters (ContextAndQuery linear projection, HybridScoring scalars)
    W_ctx = jax.random.normal(ks[5], (CTX, ED), dtype=jnp.float32) * 0.1
    b_ctx = jnp.zeros((ED,), dtype=jnp.float32)
    lam = jnp.asarray(0.1, dtype=jnp.float32)
    mu = jnp.asarray(0.5, dtype=jnp.float32)
    return {
        "psi_prime": psi_prime,
        "knn_indices": knn_indices,
        "coords": coords,
        "visited": visited,
        "demands": demands,
        "capacity": capacity,
        "used_capacity": used_capacity,
        "current_node": current_node,
        "step": 1,
        "n_customers": N1 - 1,
        "W_ctx": W_ctx,
        "b_ctx": b_ctx,
        "lam": lam,
        "mu": mu,
    }


def reference(psi_prime, knn_indices, coords, visited, demands, capacity,
              used_capacity, current_node, step, n_customers, W_ctx, b_ctx, lam, mu):
    Bq = psi_prime.shape[0]
    Nq = psi_prime.shape[1]
    bidx = jnp.arange(Bq)

    # _get_mask: True = infeasible
    remaining = capacity - used_capacity                      # [B]
    mask = visited | (demands > remaining[:, None])           # [B, N+1]
    mask = mask.at[:, 0].set(False)
    at_depot = current_node == 0
    has_cust = (~mask[:, 1:]).any(axis=1)
    mask = mask.at[:, 0].set(at_depot & has_cust)

    # ContextAndQuery: 6-d context -> embed_dim query, plus current coords
    cur_coords = coords[bidx, current_node]                   # [B, 2]
    step_f = jnp.asarray(step).astype(jnp.float32)
    denom_f = jnp.maximum(jnp.asarray(n_customers), 1).astype(jnp.float32)
    step_frac = jnp.full((Bq, 1), step_f / denom_f, dtype=jnp.float32)
    visited_frac = visited.astype(jnp.float32).mean(axis=1, keepdims=True)
    context = jnp.concatenate(
        [cur_coords, remaining[:, None], used_capacity[:, None], step_frac, visited_frac], axis=1)  # [B, 6]
    query = context @ W_ctx + b_ctx                           # [B, embed_dim]

    # HybridScoring: amplitude score blended with distance penalty, restricted to kNN of current node
    amp = jnp.einsum("bnd,bd->bn", psi_prime, query)          # [B, N+1]
    dist = jnp.linalg.norm(coords - cur_coords[:, None, :], axis=-1)  # [B, N+1]
    scores = lam * amp - mu * dist

    knn_cur = knn_indices[bidx, current_node]                 # [B, k] gather
    knn_mask = jnp.zeros((Bq, Nq), dtype=bool).at[bidx[:, None], knn_cur].set(True)
    knn_mask = knn_mask.at[:, 0].set(True)                    # depot always attendable

    infeasible = mask | (~knn_mask)
    masked_scores = jnp.where(infeasible, jnp.asarray(-1e9, dtype=scores.dtype), scores)
    log_probs = jax.nn.log_softmax(masked_scores, axis=-1)
    return (log_probs, mask)

if __name__ == "__main__":
    import jax
    _d = setup_inputs()
    print(jax.jit(kernel)(*tuple(_d.values())))

</pallas_src>

<mosaic_0001>
module attributes {stable_mosaic.version = 14 : i64} {
  func.func @_tc_body(%arg0: i32, %arg1: memref<1024xi32, #tpu.memory_space<smem>>, %arg2: memref<64x16xi32, #tpu.memory_space<vmem>>, %arg3: memref<64x1001xf32, #tpu.memory_space<vmem>>, %arg4: memref<64x1001xf32, #tpu.memory_space<vmem>>, %arg5: memref<64x1001xf32, #tpu.memory_space<vmem>>, %arg6: memref<64x1001xf32, #tpu.memory_space<vmem>>, %arg7: memref<64x1001xi32, #tpu.memory_space<vmem>>, %arg8: memref<64x1001xf32, #tpu.memory_space<vmem>>, %arg9: memref<64x1xi32, #tpu.memory_space<vmem>>, %arg10: memref<64x1xf32, #tpu.memory_space<vmem>>, %arg11: memref<64x1xf32, #tpu.memory_space<vmem>>, %arg12: memref<17xf32, #tpu.memory_space<smem>>, %arg13: memref<64x1001xf32, #tpu.memory_space<vmem>>, %arg14: memref<64x1001xi32, #tpu.memory_space<vmem>>, %arg15: memref<64x16xi32, #tpu.memory_space<vmem>>) attributes {dimension_semantics = [#tpu.dimension_semantics<arbitrary>], iteration_bounds = array<i64: 16>, scalar_prefetch = 0 : i64, scratch_operands = 1 : i64, tpu.core_type = #tpu.core_type<tc>, window_params = [{transform_indices = @transform_0, window_bounds = array<i64: 1024>}, {transform_indices = @transform_1, window_bounds = array<i64: 64, 16>}, {transform_indices = @transform_2, window_bounds = array<i64: 64, 1001>}, {transform_indices = @transform_3, window_bounds = array<i64: 64, 1001>}, {transform_indices = @transform_4, window_bounds = array<i64: 64, 1001>}, {transform_indices = @transform_5, window_bounds = array<i64: 64, 1001>}, {transform_indices = @transform_6, window_bounds = array<i64: 64, 1001>}, {transform_indices = @transform_7, window_bounds = array<i64: 64, 1001>}, {transform_indices = @transform_8, window_bounds = array<i64: 64, 1>}, {transform_indices = @transform_9, window_bounds = array<i64: 64, 1>}, {transform_indices = @transform_10, window_bounds = array<i64: 64, 1>}, {transform_indices = @transform_11, window_bounds = array<i64: 17>}, {transform_indices = @transform_12, window_bounds = array<i64: 64, 1001>}, {transform_indices = @transform_13, window_bounds = array<i64: 64, 1001>}]} {
    %get3A = arith.constant 0 : index
    %get3A_0 = arith.constant 0 : index
    %get3A_1 = vector.load %arg2[%get3A, %get3A_0] : memref<64x16xi32, #tpu.memory_space<vmem>>, vector<64x16xi32>
    %swap3A = arith.constant 0 : index
    %swap3A_2 = arith.constant 0 : index
    %swap3A_3 = vector.load %arg15[%swap3A, %swap3A_2] : memref<64x16xi32, #tpu.memory_space<vmem>>, vector<64x16xi32>
    tpu.vector_store %arg15[%swap3A, %swap3A_2], %get3A_1 {strides = array<i32>} : memref<64x16xi32, #tpu.memory_space<vmem>>, vector<64x16xi32>,
    %get3A_4 = arith.constant 0 : index
    %get3A_5 = arith.constant 0 : index
    %get3A_6 = vector.load %arg7[%get3A_4, %get3A_5] : memref<64x1001xi32, #tpu.memory_space<vmem>>, vector<64x1001xi32>
    %get3A_7 = arith.constant dense<0> : vector<64x1001xi32>
    %get3A_8 = arith.cmpi ne, %get3A_6, %get3A_7 : vector<64x1001xi32>
    %get3A_9 = arith.constant 0 : index
    %get3A_10 = arith.constant 0 : index
    %get3A_11 = vector.load %arg8[%get3A_9, %get3A_10] : memref<64x1001xf32, #tpu.memory_space<vmem>>, vector<64x1001xf32>
    %get3A_12 = arith.constant 0 : index
    %get3A_13 = arith.constant 0 : index
    %get3A_14 = vector.load %arg10[%get3A_12, %get3A_13] : memref<64x1xf32, #tpu.memory_space<vmem>>, vector<64x1xf32>
    %get3A_15 = arith.constant 0 : index
    %get3A_16 = arith.constant 0 : index
    %get3A_17 = vector.load %arg11[%get3A_15, %get3A_16] : memref<64x1xf32, #tpu.memory_space<vmem>>, vector<64x1xf32>
    %sub3A = arith.subf %get3A_14, %get3A_17 : vector<64x1xf32>
    %iota3A = tpu.iota {dimensions = array<i32: 1>} : vector<64x1001xi32>
    %gt3A = vector.broadcast %sub3A : vector<64x1xf32> to vector<64x1001xf32>
    %gt3A_18 = arith.cmpf ogt, %get3A_11, %gt3A : vector<64x1001xf32>
    %or3A = arith.ori %get3A_8, %gt3A_18 : vector<64x1001xi1>
    %get3A_19 = arith.constant 0 : index
    %get3A_20 = arith.constant 0 : index
    %get3A_21 = vector.load %arg9[%get3A_19, %get3A_20] : memref<64x1xi32, #tpu.memory_space<vmem>>, vector<64x1xi32>
    %eq3A = arith.constant 0 : i32
    %eq3A_22 = vector.broadcast %eq3A : i32 to vector<64x1xi32>
    %eq3A_23 = arith.cmpi eq, %get3A_21, %eq3A_22 : vector<64x1xi32>
    %not3A = arith.constant dense<true> : vector<64x1001xi1>
    %not3A_24 = arith.xori %or3A, %not3A : vector<64x1001xi1>
    %gt3A_25 = arith.constant 0 : i32
    %gt3A_26 = vector.broadcast %gt3A_25 : i32 to vector<64x1001xi32>
    %gt3A_27 = arith.cmpi sgt, %iota3A, %gt3A_26 : vector<64x1001xi32>
    %and3A = arith.andi %not3A_24, %gt3A_27 : vector<64x1001xi1>
    %reduce_or3A = arith.constant 1.000000e+00 : f32
    %reduce_or3A_28 = arith.constant 0.000000e+00 : f32
    %reduce_or3A_29 = vector.broadcast %reduce_or3A : f32 to vector<64x1001xf32>
    %reduce_or3A_30 = vector.broadcast %reduce_or3A_28 : f32 to vector<64x1001xf32>
    %reduce_or3A_31 = arith.select %and3A, %reduce_or3A_29, %reduce_or3A_30 : vector<64x1001xi1>, vector<64x1001xf32>
    %reduce_or3A_32 = arith.constant dense<0xFF800000> : vector<64xf32>
    %reduce_or3A_33 = vector.multi_reduction <maximumf>, %reduce_or3A_31, %reduce_or3A_32 [1] : vector<64x1001xf32> to vector<64xf32>
    %reduce_or3A_34 = arith.constant 0.000000e+00 : f32
    %reduce_or3A_35 = vector.broadcast %reduce_or3A_34 : f32 to vector<64xf32>
    %reduce_or3A_36 = arith.cmpf ogt, %reduce_or3A_33, %reduce_or3A_35 : vector<64xf32>
    %broadcast_in_dim3A = vector.shape_cast %reduce_or3A_36 : vector<64xi1> to vector<64x1xi1>
    %eq3A_37 = arith.constant 0 : i32
    %eq3A_38 = vector.broadcast %eq3A_37 : i32 to vector<64x1001xi32>
    %eq3A_39 = arith.cmpi eq, %iota3A, %eq3A_38 : vector<64x1001xi32>
    %and3A_40 = vector.broadcast %eq3A_23 : vector<64x1xi1> to vector<64x1001xi1>
    %and3A_41 = arith.andi %eq3A_39, %and3A_40 : vector<64x1001xi1>
    %and3A_42 = vector.broadcast %broadcast_in_dim3A : vector<64x1xi1> to vector<64x1001xi1>
    %and3A_43 = arith.andi %and3A_41, %and3A_42 : vector<64x1001xi1>
    %not3A_44 = arith.constant dense<true> : vector<64x1001xi1>
    %not3A_45 = arith.xori %eq3A_39, %not3A_44 : vector<64x1001xi1>
    %and3A_46 = arith.andi %not3A_45, %or3A : vector<64x1001xi1>
    %or3A_47 = arith.ori %and3A_43, %and3A_46 : vector<64x1001xi1>
    %get3A_48 = arith.constant 0 : index
    %get3A_49 = arith.constant 0 : index
    %get3A_50 = vector.load %arg5[%get3A_48, %get3A_49] : memref<64x1001xf32, #tpu.memory_space<vmem>>, vector<64x1001xf32>
    %get3A_51 = arith.constant 0 : index
    %get3A_52 = arith.constant 0 : index
    %get3A_53 = vector.load %arg6[%get3A_51, %get3A_52] : memref<64x1001xf32, #tpu.memory_space<vmem>>, vector<64x1001xf32>
    %eq3A_54 = vector.broadcast %get3A_21 : vector<64x1xi32> to vector<64x1001xi32>
    %eq3A_55 = arith.cmpi eq, %iota3A, %eq3A_54 : vector<64x1001xi32>
    %jit3A = arith.constant 0.000000e+00 : f32
    %broadcast_in_dim3A_56 = vector.broadcast %jit3A : f32 to vector<64x1001xf32>
    %select_n3A = arith.select %eq3A_55, %get3A_50, %broadcast_in_dim3A_56 : vector<64x1001xi1>, vector<64x1001xf32>
    %reduce_sum3A = arith.constant dense<0.000000e+00> : vector<64xf32>
    %reduce_sum3A_57 = vector.multi_reduction <add>, %select_n3A, %reduce_sum3A [1] : vector<64x1001xf32> to vector<64xf32>
    %broadcast_in_dim3A_58 = vector.shape_cast %reduce_sum3A_57 : vector<64xf32> to vector<64x1xf32>
    %jit3A_59 = arith.constant 0.000000e+00 : f32
    %broadcast_in_dim3A_60 = vector.broadcast %jit3A_59 : f32 to vector<64x1001xf32>
    %select_n3A_61 = arith.select %eq3A_55, %get3A_53, %broadcast_in_dim3A_60 : vector<64x1001xi1>, vector<64x1001xf32>
    %reduce_sum3A_62 = arith.constant dense<0.000000e+00> : vector<64xf32>
    %reduce_sum3A_63 = vector.multi_reduction <add>, %select_n3A_61, %reduce_sum3A_62 [1] : vector<64x1001xf32> to vector<64xf32>
    %broadcast_in_dim3A_64 = vector.shape_cast %reduce_sum3A_63 : vector<64xf32> to vector<64x1xf32>
    %convert_element_type3A = arith.extui %get3A_8 : vector<64x1001xi1> to vector<64x1001xi32>
    %convert_element_type3A_65 = arith.sitofp %convert_element_type3A : vector<64x1001xi32> to vector<64x1001xf32>
    %reduce_sum3A_66 = arith.constant dense<0.000000e+00> : vector<64xf32>
    %reduce_sum3A_67 = vector.multi_reduction <add>, %convert_element_type3A_65, %reduce_sum3A_66 [1] : vector<64x1001xf32> to vector<64xf32>
    %broadcast_in_dim3A_68 = vector.shape_cast %reduce_sum3A_67 : vector<64xf32> to vector<64x1xf32>
    %div3A = arith.constant 1.001000e+03 : f32
    %div3A_69 = vector.broadcast %div3A : f32 to vector<64x1xf32>
    %div3A_70 = arith.divf %broadcast_in_dim3A_68, %div3A_69 : vector<64x1xf32>
    %get3A_71 = arith.constant 0 : index
    %get3A_72 = memref.load %arg12[%get3A_71] : memref<17xf32, #tpu.memory_space<smem>>
    %get3A_73 = arith.constant 1 : index
    %get3A_74 = memref.load %arg12[%get3A_73] : memref<17xf32, #tpu.memory_space<smem>>
    %get3A_75 = arith.constant 2 : index
    %get3A_76 = memref.load %arg12[%get3A_75] : memref<17xf32, #tpu.memory_space<smem>>
    %get3A_77 = arith.constant 5 : index
    %get3A_78 = memref.load %arg12[%get3A_77] : memref<17xf32, #tpu.memory_space<smem>>
    %mul3A = vector.broadcast %get3A_78 : f32 to vector<64x1xf32>
    %mul3A_79 = arith.mulf %broadcast_in_dim3A_58, %mul3A : vector<64x1xf32>
    %get3A_80 = arith.constant 7 : index
    %get3A_81 = memref.load %arg12[%get3A_80] : memref<17xf32, #tpu.memory_space<smem>>
    %mul3A_82 = vector.broadcast %get3A_81 : f32 to vector<64x1xf32>
    %mul3A_83 = arith.mulf %broadcast_in_dim3A_64, %mul3A_82 : vector<64x1xf32>
    %add3A = arith.addf %mul3A_79, %mul3A_83 : vector<64x1xf32>
    %get3A_84 = arith.constant 9 : index
    %get3A_85 = memref.load %arg12[%get3A_84] : memref<17xf32, #tpu.memory_space<smem>>
    %mul3A_86 = vector.broadcast %get3A_85 : f32 to vector<64x1xf32>
    %mul3A_87 = arith.mulf %sub3A, %mul3A_86 : vector<64x1xf32>
    %add3A_88 = arith.addf %add3A, %mul3A_87 : vector<64x1xf32>
    %get3A_89 = arith.constant 11 : index
    %get3A_90 = memref.load %arg12[%get3A_89] : memref<17xf32, #tpu.memory_space<smem>>
    %mul3A_91 = vector.broadcast %get3A_90 : f32 to vector<64x1xf32>
    %mul3A_92 = arith.mulf %get3A_17, %mul3A_91 : vector<64x1xf32>
    %add3A_93 = arith.addf %add3A_88, %mul3A_92 : vector<64x1xf32>
    %get3A_94 = arith.constant 13 : index
    %get3A_95 = memref.load %arg12[%get3A_94] : memref<17xf32, #tpu.memory_space<smem>>
    %mul3A_96 = arith.mulf %get3A_76, %get3A_95 : f32
    %add3A_97 = vector.broadcast %mul3A_96 : f32 to vector<64x1xf32>
    %add3A_98 = arith.addf %add3A_93, %add3A_97 : vector<64x1xf32>
    %get3A_99 = arith.constant 15 : index
    %get3A_100 = memref.load %arg12[%get3A_99] : memref<17xf32, #tpu.memory_space<smem>>
    %mul3A_101 = vector.broadcast %get3A_100 : f32 to vector<64x1xf32>
    %mul3A_102 = arith.mulf %div3A_70, %mul3A_101 : vector<64x1xf32>
    %add3A_103 = arith.addf %add3A_98, %mul3A_102 : vector<64x1xf32>
    %get3A_104 = arith.constant 3 : index
    %get3A_105 = memref.load %arg12[%get3A_104] : memref<17xf32, #tpu.memory_space<smem>>
    %add3A_106 = vector.broadcast %get3A_105 : f32 to vector<64x1xf32>
    %add3A_107 = arith.addf %add3A_103, %add3A_106 : vector<64x1xf32>
    %get3A_108 = arith.constant 6 : index
    %get3A_109 = memref.load %arg12[%get3A_108] : memref<17xf32, #tpu.memory_space<smem>>
    %mul3A_110 = vector.broadcast %get3A_109 : f32 to vector<64x1xf32>
    %mul3A_111 = arith.mulf %broadcast_in_dim3A_58, %mul3A_110 : vector<64x1xf32>
    %get3A_112 = arith.constant 8 : index
    %get3A_113 = memref.load %arg12[%get3A_112] : memref<17xf32, #tpu.memory_space<smem>>
    %mul3A_114 = vector.broadcast %get3A_113 : f32 to vector<64x1xf32>
    %mul3A_115 = arith.mulf %broadcast_in_dim3A_64, %mul3A_114 : vector<64x1xf32>
    %add3A_116 = arith.addf %mul3A_111, %mul3A_115 : vector<64x1xf32>
    %get3A_117 = arith.constant 10 : index
    %get3A_118 = memref.load %arg12[%get3A_117] : memref<17xf32, #tpu.memory_space<smem>>
    %mul3A_119 = vector.broadcast %get3A_118 : f32 to vector<64x1xf32>
    %mul3A_120 = arith.mulf %sub3A, %mul3A_119 : vector<64x1xf32>
    %add3A_121 = arith.addf %add3A_116, %mul3A_120 : vector<64x1xf32>
    %get3A_122 = arith.constant 12 : index
    %get3A_123 = memref.load %arg12[%get3A_122] : memref<17xf32, #tpu.memory_space<smem>>
    %mul3A_124 = vector.broadcast %get3A_123 : f32 to vector<64x1xf32>
    %mul3A_125 = arith.mulf %get3A_17, %mul3A_124 : vector<64x1xf32>
    %add3A_126 = arith.addf %add3A_121, %mul3A_125 : vector<64x1xf32>
    %get3A_127 = arith.constant 14 : index
    %get3A_128 = memref.load %arg12[%get3A_127] : memref<17xf32, #tpu.memory_space<smem>>
    %mul3A_129 = arith.mulf %get3A_76, %get3A_128 : f32
    %add3A_130 = vector.broadcast %mul3A_129 : f32 to vector<64x1xf32>
    %add3A_131 = arith.addf %add3A_126, %add3A_130 : vector<64x1xf32>
    %get3A_132 = arith.constant 16 : index
    %get3A_133 = memref.load %arg12[%get3A_132] : memref<17xf32, #tpu.memory_space<smem>>
    %mul3A_134 = vector.broadcast %get3A_133 : f32 to vector<64x1xf32>
    %mul3A_135 = arith.mulf %div3A_70, %mul3A_134 : vector<64x1xf32>
    %add3A_136 = arith.addf %add3A_131, %mul3A_135 : vector<64x1xf32>
    %get3A_137 = arith.constant 4 : index
    %get3A_138 = memref.load %arg12[%get3A_137] : memref<17xf32, #tpu.memory_space<smem>>
    %add3A_139 = vector.broadcast %get3A_138 : f32 to vector<64x1xf32>
    %add3A_140 = arith.addf %add3A_136, %add3A_139 : vector<64x1xf32>
    %get3A_141 = arith.constant 0 : index
    %get3A_142 = arith.constant 0 : index
    %get3A_143 = vector.load %arg3[%get3A_141, %get3A_142] : memref<64x1001xf32, #tpu.memory_space<vmem>>, vector<64x1001xf32>
    %mul3A_144 = vector.broadcast %add3A_107 : vector<64x1xf32> to vector<64x1001xf32>
    %mul3A_145 = arith.mulf %get3A_143, %mul3A_144 : vector<64x1001xf32>
    %get3A_146 = arith.constant 0 : index
    %get3A_147 = arith.constant 0 : index
    %get3A_148 = vector.load %arg4[%get3A_146, %get3A_147] : memref<64x1001xf32, #tpu.memory_space<vmem>>, vector<64x1001xf32>
    %mul3A_149 = vector.broadcast %add3A_140 : vector<64x1xf32> to vector<64x1001xf32>
    %mul3A_150 = arith.mulf %get3A_148, %mul3A_149 : vector<64x1001xf32>
    %add3A_151 = arith.addf %mul3A_145, %mul3A_150 : vector<64x1001xf32>
    %sub3A_152 = vector.broadcast %broadcast_in_dim3A_58 : vector<64x1xf32> to vector<64x1001xf32>
    %sub3A_153 = arith.subf %get3A_50, %sub3A_152 : vector<64x1001xf32>
    %sub3A_154 = vector.broadcast %broadcast_in_dim3A_64 : vector<64x1xf32> to vector<64x1001xf32>
    %sub3A_155 = arith.subf %get3A_53, %sub3A_154 : vector<64x1001xf32>
    %mul3A_156 = arith.mulf %sub3A_153, %sub3A_153 : vector<64x1001xf32>
    %mul3A_157 = arith.mulf %sub3A_155, %sub3A_155 : vector<64x1001xf32>
    %add3A_158 = arith.addf %mul3A_156, %mul3A_157 : vector<64x1001xf32>
    %sqrt3A = math.sqrt %add3A_158 : vector<64x1001xf32>
    %mul3A_159 = vector.broadcast %get3A_72 : f32 to vector<64x1001xf32>
    %mul3A_160 = arith.mulf %mul3A_159, %add3A_151 : vector<64x1001xf32>
    %mul3A_161 = vector.broadcast %get3A_74 : f32 to vector<64x1001xf32>
    %mul3A_162 = arith.mulf %mul3A_161, %sqrt3A : vector<64x1001xf32>
    %sub3A_163 = arith.subf %mul3A_160, %mul3A_162 : vector<64x1001xf32>
    %get3A_164 = arith.constant 0 : index
    %get3A_165 = arith.constant 0 : index
    %get3A_166 = vector.load %arg15[%get3A_164, %get3A_165] : memref<64x16xi32, #tpu.memory_space<vmem>>, vector<64x16xi32>
    %slice3A = vector.extract_strided_slice %get3A_166 {offsets = [0, 0], sizes = [64, 1], strides = [1, 1]} : vector<64x16xi32> to vector<64x1xi32>
    %eq3A_167 = vector.broadcast %slice3A : vector<64x1xi32> to vector<64x1001xi32>
    %eq3A_168 = arith.cmpi eq, %iota3A, %eq3A_167 : vector<64x1001xi32>
    %or3A_169 = arith.ori %eq3A_39, %eq3A_168 : vector<64x1001xi1>
    %slice3A_170 = vector.extract_strided_slice %get3A_166 {offsets = [0, 1], sizes = [64, 1], strides = [1, 1]} : vector<64x16xi32> to vector<64x1xi32>
    %eq3A_171 = vector.broadcast %slice3A_170 : vector<64x1xi32> to vector<64x1001xi32>
    %eq3A_172 = arith.cmpi eq, %iota3A, %eq3A_171 : vector<64x1001xi32>
    %or3A_173 = arith.ori %or3A_169, %eq3A_172 : vector<64x1001xi1>
    %slice3A_174 = vector.extract_strided_slice %get3A_166 {offsets = [0, 2], sizes = [64, 1], strides = [1, 1]} : vector<64x16xi32> to vector<64x1xi32>
    %eq3A_175 = vector.broadcast %slice3A_174 : vector<64x1xi32> to vector<64x1001xi32>
    %eq3A_176 = arith.cmpi eq, %iota3A, %eq3A_175 : vector<64x1001xi32>
    %or3A_177 = arith.ori %or3A_173, %eq3A_176 : vector<64x1001xi1>
    %slice3A_178 = vector.extract_strided_slice %get3A_166 {offsets = [0, 3], sizes = [64, 1], strides = [1, 1]} : vector<64x16xi32> to vector<64x1xi32>
    %eq3A_179 = vector.broadcast %slice3A_178 : vector<64x1xi32> to vector<64x1001xi32>
    %eq3A_180 = arith.cmpi eq, %iota3A, %eq3A_179 : vector<64x1001xi32>
    %or3A_181 = arith.ori %or3A_177, %eq3A_180 : vector<64x1001xi1>
    %slice3A_182 = vector.extract_strided_slice %get3A_166 {offsets = [0, 4], sizes = [64, 1], strides = [1, 1]} : vector<64x16xi32> to vector<64x1xi32>
    %eq3A_183 = vector.broadcast %slice3A_182 : vector<64x1xi32> to vector<64x1001xi32>
    %eq3A_184 = arith.cmpi eq, %iota3A, %eq3A_183 : vector<64x1001xi32>
    %or3A_185 = arith.ori %or3A_181, %eq3A_184 : vector<64x1001xi1>
    %slice3A_186 = vector.extract_strided_slice %get3A_166 {offsets = [0, 5], sizes = [64, 1], strides = [1, 1]} : vector<64x16xi32> to vector<64x1xi32>
    %eq3A_187 = vector.broadcast %slice3A_186 : vector<64x1xi32> to vector<64x1001xi32>
    %eq3A_188 = arith.cmpi eq, %iota3A, %eq3A_187 : vector<64x1001xi32>
    %or3A_189 = arith.ori %or3A_185, %eq3A_188 : vector<64x1001xi1>
    %slice3A_190 = vector.extract_strided_slice %get3A_166 {offsets = [0, 6], sizes = [64, 1], strides = [1, 1]} : vector<64x16xi32> to vector<64x1xi32>
    %eq3A_191 = vector.broadcast %slice3A_190 : vector<64x1xi32> to vector<64x1001xi32>
    %eq3A_192 = arith.cmpi eq, %iota3A, %eq3A_191 : vector<64x1001xi32>
    %or3A_193 = arith.ori %or3A_189, %eq3A_192 : vector<64x1001xi1>
    %slice3A_194 = vector.extract_strided_slice %get3A_166 {offsets = [0, 7], sizes = [64, 1], strides = [1, 1]} : vector<64x16xi32> to vector<64x1xi32>
    %eq3A_195 = vector.broadcast %slice3A_194 : vector<64x1xi32> to vector<64x1001xi32>
    %eq3A_196 = arith.cmpi eq, %iota3A, %eq3A_195 : vector<64x1001xi32>
    %or3A_197 = arith.ori %or3A_193, %eq3A_196 : vector<64x1001xi1>
    %slice3A_198 = vector.extract_strided_slice %get3A_166 {offsets = [0, 8], sizes = [64, 1], strides = [1, 1]} : vector<64x16xi32> to vector<64x1xi32>
    %eq3A_199 = vector.broadcast %slice3A_198 : vector<64x1xi32> to vector<64x1001xi32>
    %eq3A_200 = arith.cmpi eq, %iota3A, %eq3A_199 : vector<64x1001xi32>
    %or3A_201 = arith.ori %or3A_197, %eq3A_200 : vector<64x1001xi1>
    %slice3A_202 = vector.extract_strided_slice %get3A_166 {offsets = [0, 9], sizes = [64, 1], strides = [1, 1]} : vector<64x16xi32> to vector<64x1xi32>
    %eq3A_203 = vector.broadcast %slice3A_202 : vector<64x1xi32> to vector<64x1001xi32>
    %eq3A_204 = arith.cmpi eq, %iota3A, %eq3A_203 : vector<64x1001xi32>
    %or3A_205 = arith.ori %or3A_201, %eq3A_204 : vector<64x1001xi1>
    %slice3A_206 = vector.extract_strided_slice %get3A_166 {offsets = [0, 10], sizes = [64, 1], strides = [1, 1]} : vector<64x16xi32> to vector<64x1xi32>
    %eq3A_207 = vector.broadcast %slice3A_206 : vector<64x1xi32> to vector<64x1001xi32>
    %eq3A_208 = arith.cmpi eq, %iota3A, %eq3A_207 : vector<64x1001xi32>
    %or3A_209 = arith.ori %or3A_205, %eq3A_208 : vector<64x1001xi1>
    %slice3A_210 = vector.extract_strided_slice %get3A_166 {offsets = [0, 11], sizes = [64, 1], strides = [1, 1]} : vector<64x16xi32> to vector<64x1xi32>
    %eq3A_211 = vector.broadcast %slice3A_210 : vector<64x1xi32> to vector<64x1001xi32>
    %eq3A_212 = arith.cmpi eq, %iota3A, %eq3A_211 : vector<64x1001xi32>
    %or3A_213 = arith.ori %or3A_209, %eq3A_212 : vector<64x1001xi1>
    %slice3A_214 = vector.extract_strided_slice %get3A_166 {offsets = [0, 12], sizes = [64, 1], strides = [1, 1]} : vector<64x16xi32> to vector<64x1xi32>
    %eq3A_215 = vector.broadcast %slice3A_214 : vector<64x1xi32> to vector<64x1001xi32>
    %eq3A_216 = arith.cmpi eq, %iota3A, %eq3A_215 : vector<64x1001xi32>
    %or3A_217 = arith.ori %or3A_213, %eq3A_216 : vector<64x1001xi1>
    %slice3A_218 = vector.extract_strided_slice %get3A_166 {offsets = [0, 13], sizes = [64, 1], strides = [1, 1]} : vector<64x16xi32> to vector<64x1xi32>
    %eq3A_219 = vector.broadcast %slice3A_218 : vector<64x1xi32> to vector<64x1001xi32>
    %eq3A_220 = arith.cmpi eq, %iota3A, %eq3A_219 : vector<64x1001xi32>
    %or3A_221 = arith.ori %or3A_217, %eq3A_220 : vector<64x1001xi1>
    %slice3A_222 = vector.extract_strided_slice %get3A_166 {offsets = [0, 14], sizes = [64, 1], strides = [1, 1]} : vector<64x16xi32> to vector<64x1xi32>
    %eq3A_223 = vector.broadcast %slice3A_222 : vector<64x1xi32> to vector<64x1001xi32>
    %eq3A_224 = arith.cmpi eq, %iota3A, %eq3A_223 : vector<64x1001xi32>
    %or3A_225 = arith.ori %or3A_221, %eq3A_224 : vector<64x1001xi1>
    %slice3A_226 = vector.extract_strided_slice %get3A_166 {offsets = [0, 15], sizes = [64, 1], strides = [1, 1]} : vector<64x16xi32> to vector<64x1xi32>
    %eq3A_227 = vector.broadcast %slice3A_226 : vector<64x1xi32> to vector<64x1001xi32>
    %eq3A_228 = arith.cmpi eq, %iota3A, %eq3A_227 : vector<64x1001xi32>
    %or3A_229 = arith.ori %or3A_225, %eq3A_228 : vector<64x1001xi1>
    %not3A_230 = arith.constant dense<true> : vector<64x1001xi1>
    %not3A_231 = arith.xori %or3A_229, %not3A_230 : vector<64x1001xi1>
    %or3A_232 = arith.ori %or3A_47, %not3A_231 : vector<64x1001xi1>
    %jit3A_233 = arith.constant -1.000000e+09 : f32
    %broadcast_in_dim3A_234 = vector.broadcast %jit3A_233 : f32 to vector<64x1001xf32>
    %select_n3A_235 = arith.select %or3A_232, %broadcast_in_dim3A_234, %sub3A_163 : vector<64x1001xi1>, vector<64x1001xf32>
    %reduce_max3A = arith.constant dense<0xFF800000> : vector<64xf32>
    %reduce_max3A_236 = vector.multi_reduction <maximumf>, %select_n3A_235, %reduce_max3A [1] : vector<64x1001xf32> to vector<64xf32>
    %broadcast_in_dim3A_237 = vector.shape_cast %reduce_max3A_236 : vector<64xf32> to vector<64x1xf32>
    %sub3A_238 = vector.broadcast %broadcast_in_dim3A_237 : vector<64x1xf32> to vector<64x1001xf32>
    %sub3A_239 = arith.subf %select_n3A_235, %sub3A_238 : vector<64x1001xf32>
    %exp3A = math.exp %sub3A_239 : vector<64x1001xf32>
    %reduce_sum3A_240 = arith.constant dense<0.000000e+00> : vector<64xf32>
    %reduce_sum3A_241 = vector.multi_reduction <add>, %exp3A, %reduce_sum3A_240 [1] : vector<64x1001xf32> to vector<64xf32>
    %broadcast_in_dim3A_242 = vector.shape_cast %reduce_sum3A_241 : vector<64xf32> to vector<64x1xf32>
    %log3A = math.log %broadcast_in_dim3A_242 : vector<64x1xf32>
    %sub3A_243 = vector.broadcast %log3A : vector<64x1xf32> to vector<64x1001xf32>
    %sub3A_244 = arith.subf %sub3A_239, %sub3A_243 : vector<64x1001xf32>
    %swap3A_245 = arith.constant 0 : index
    %swap3A_246 = arith.constant 0 : index
    %swap3A_247 = vector.load %arg13[%swap3A_245, %swap3A_246] : memref<64x1001xf32, #tpu.memory_space<vmem>>, vector<64x1001xf32>
    tpu.vector_store %arg13[%swap3A_245, %swap3A_246], %sub3A_244 {strides = array<i32>} : memref<64x1001xf32, #tpu.memory_space<vmem>>, vector<64x1001xf32>,
    %swap3A_248 = arith.constant 0 : index
    %swap3A_249 = arith.constant 0 : index
    %swap3A_250 = vector.load %arg14[%swap3A_248, %swap3A_249] : memref<64x1001xi32, #tpu.memory_space<vmem>>, vector<64x1001xi32>
    %swap3A_251 = arith.extui %or3A_47 : vector<64x1001xi1> to vector<64x1001xi32>
    %swap3A_252 = arith.constant dense<0> : vector<64x1001xi32>
    %swap3A_253 = arith.cmpi ne, %swap3A_250, %swap3A_252 : vector<64x1001xi32>
    tpu.vector_store %arg14[%swap3A_248, %swap3A_249], %swap3A_251 {strides = array<i32>} : memref<64x1001xi32, #tpu.memory_space<vmem>>, vector<64x1001xi32>,
    return
  }
  func.func @transform_0(%arg0: i32) -> i32 {
    %c0_i32 = arith.constant 0 : i32
    %c0_i32_0 = arith.constant 0 : i32
    return %c0_i32 : i32
  }
  func.func @transform_1(%arg0: i32) -> (i32, i32) {
    %c0_i32 = arith.constant 0 : i32
    %c0_i32_0 = arith.constant 0 : i32
    return %arg0, %c0_i32 : i32, i32
  }
  func.func @transform_2(%arg0: i32) -> (i32, i32) {
    %c0_i32 = arith.constant 0 : i32
    %c0_i32_0 = arith.constant 0 : i32
    return %arg0, %c0_i32 : i32, i32
  }
  func.func @transform_3(%arg0: i32) -> (i32, i32) {
    %c0_i32 = arith.constant 0 : i32
    %c0_i32_0 = arith.constant 0 : i32
    return %arg0, %c0_i32 : i32, i32
  }
  func.func @transform_4(%arg0: i32) -> (i32, i32) {
    %c0_i32 = arith.constant 0 : i32
    %c0_i32_0 = arith.constant 0 : i32
    return %arg0, %c0_i32 : i32, i32
  }
  func.func @transform_5(%arg0: i32) -> (i32, i32) {
    %c0_i32 = arith.constant 0 : i32
    %c0_i32_0 = arith.constant 0 : i32
    return %arg0, %c0_i32 : i32, i32
  }
  func.func @transform_6(%arg0: i32) -> (i32, i32) {
    %c0_i32 = arith.constant 0 : i32
    %c0_i32_0 = arith.constant 0 : i32
    return %arg0, %c0_i32 : i32, i32
  }
  func.func @transform_7(%arg0: i32) -> (i32, i32) {
    %c0_i32 = arith.constant 0 : i32
    %c0_i32_0 = arith.constant 0 : i32
    return %arg0, %c0_i32 : i32, i32
  }
  func.func @transform_8(%arg0: i32) -> (i32, i32) {
    %c0_i32 = arith.constant 0 : i32
    %c0_i32_0 = arith.constant 0 : i32
    return %arg0, %c0_i32 : i32, i32
  }
  func.func @transform_9(%arg0: i32) -> (i32, i32) {
    %c0_i32 = arith.constant 0 : i32
    %c0_i32_0 = arith.constant 0 : i32
    return %arg0, %c0_i32 : i32, i32
  }
  func.func @transform_10(%arg0: i32) -> (i32, i32) {
    %c0_i32 = arith.constant 0 : i32
    %c0_i32_0 = arith.constant 0 : i32
    return %arg0, %c0_i32 : i32, i32
  }
  func.func @transform_11(%arg0: i32) -> i32 {
    %c0_i32 = arith.constant 0 : i32
    %c0_i32_0 = arith.constant 0 : i32
    return %c0_i32 : i32
  }
  func.func @transform_12(%arg0: i32) -> (i32, i32) {
    %c0_i32 = arith.constant 0 : i32
    %c0_i32_0 = arith.constant 0 : i32
    return %arg0, %c0_i32 : i32, i32
  }
  func.func @transform_13(%arg0: i32) -> (i32, i32) {
    %c0_i32 = arith.constant 0 : i32
    %c0_i32_0 = arith.constant 0 : i32
    return %arg0, %c0_i32 : i32, i32
  }
}

</mosaic_0001>

<sc_bundles>
// kernel: gather_offload_async_start
scs
__scs_entry_jumppad:
0x0: {  	(pc) =	sbr.rel $0x88, $3  }
0x1: {  	(tag) =	ssettag $0x0;
	lr =	simm.s32 $0x1  }
0x2: {  	[smem:$0x3F93] =	sst lr;
	_ =	strace $0xD0000000  }
0x3: {  	_ = 	snop  }
0x4: {  	_ = 	snop  }
0x5: {  	_ = 	snop  }
0x6: {  	_ = 	snop  }
0x7: {  	_ = 	snop  }
__scs_overlays_trampoline_lowered:
0x8: {  	[smem:$0x3FA2] =	sst s0  }
0x9: {  	[smem:$0x3FA3] =	sst s1  }
0xa: {  	[smem:$0x3FA4] =	sst s2  }
0xb: {  	[smem:$0x3FA5] =	sst s3  }
0xc: {  	[smem:$0x3FA6] =	sst s4  }
0xd: {  	[smem:$0x3FA7] =	sst s5  }
0xe: {  	[smem:$0x3FA8] =	sst s6  }
0xf: {  	[smem:$0x3FA9] =	sst s7  }
0x10: {  	[smem:$0x3FAA] =	sst s8  }
0x11: {  	[smem:$0x3FAB] =	sst s9;
	s0 =	simm.s32 @!p0 $0x0  }
0x12: {  	s1 =	sld [smem:$0x3F91];
	s0 =	simm.s32 @p0 $0x1  }
0x13: {  	[smem:$0x3FAC] =	sst s0;
	s0 =	simm.s32 @!p1 $0x0  }
0x14: {  	s2 =	sld [smem:$0x3F90];
	s0 =	simm.s32 @p1 $0x1  }
0x15: {  	[smem:$0x3FAD] =	sst s0;
	s0 =	simm.s32 @!p2 $0x0  }
0x16: {  	s3 =	sld [smem:$0x3FDB];
	s0 =	simm.s32 @p2 $0x1  }
0x17: {  	s4 =	simm.s32 $0x1BF5;
	[smem:$0x3FAF] =	sst s0  }
0x18: {  	s0 =	sld [smem:$0x3F92];
	_ =	swait.ge [sflag:s4], $0x0  }
0x19: {  	s7 =	sld [smem:$0x3F93]  }
0x1a: {  	s8 =	sadd.s32 $0xFFFFE003, lr  }
0x1b: {  	s9 =	sadd.s32 $0xFFFFFEF7, lr;
	s5 =	simm.s32 $0xFFFFFFFF;
	p2 =	slt.u32 s8, $0xFFFFF086  }
0x1c: {  	p1 =	slt.u32 s9, $0xF7A;
	s5 =	simm.s32 @!p2 $0x0  }
0x1d: {  	s5 =	simm.s32 @p1 $0x1;
	p0 =	seq.s32 s7, s2  }
0x1e: {  	s7 =	smul.u32 @!p0 $0xF7A, s2;
	p2 =	seq.s32 @!p0 s5, $0x0  }
0x1f: {  	s9 =	smul.u32 $0xF7A, s1;
	s8 =	simm.s32 @!p0 $0x1BF5;
	p2 =	por !p2, p0  }
0x20: {  	[sflag:s8] =	ssyncset.s32 @!p0 $0xFFFFF086;
	s6 =	sadd.s32 @!p0 s3, s7;
	s7 =	simm.s32 @!p0 $0x108  }
0x21: {  	s3 =	sadd.s32 s3, s9;
	s6 =	sadd.s32 @!p0 $0x88, s6;
	s7 =	simm.s32 @p2 $0x1082  }
0x22: {  	[simem:s7], [sflag:s8] =	dma.local @!p0 [hbm:s6], $0xF7A  }
0x23: {  	s9 =	sor.u32 $0xD0000000, s2;
	s6 =	simm.s32 $0x108;
	_ =	swait.ge @!p0 [sflag:s8], $0x0  }
0x24: {  	s3 =	sadd.s32 $0x88, s3;
	s6 =	simm.s32 @!p1 $0x1082;
	[sflag:s4] =	ssyncset.s32 $0xFFFFF086  }
0x25: {  	[simem:s6], [sflag:s4] =	dma.local [hbm:s3], $0xF7A  }
0x26: {  	[smem:$0x3F93] =	sst s1;
	(tag) =	ssettag s2;
	_ =	strace s9  }
0x27: {  	s1 =	sld [smem:$0x3FA3]  }
0x28: {  	s2 =	sld [smem:$0x3FA4]  }
0x29: {  	s4 =	sld [smem:$0x3FA6]  }
0x2a: {  	p0 =	seq.s32 s5, $0x0;
	s5 =	sld [smem:$0x3FA7]  }
0x2b: {  	s6 =	sld [smem:$0x3FA8]  }
0x2c: {  	s7 =	sld [smem:$0x3FA9]  }
0x2d: {  	s3 =	simm.s32 $0x108;
	s8 =	sld [smem:$0x3FAA]  }
0x2e: {  	s3 =	simm.s32 @!p0 $0x1082;
	s9 =	sld [smem:$0x3FAB]  }
0x2f: {  	lr =	sadd.s32 s0, s3;
	s0 =	sld [smem:$0x3FA2]  }
0x30: {  	s3 =	sld [smem:$0x3FA5]  }
0x31: {  	[smem:$0x3FAE] =	sst s10  }
0x32: {  	s10 =	sld [smem:$0x3FAC];
	_ =	sdelay $0x3  }
0x33: {  	p0 =	seq.s32 s10, $0x1;
	s10 =	sld [smem:$0x3FAE];
	_ =	sdelay $0x3  }
0x34: {  	[smem:$0x3FAE] =	sst s10  }
0x35: {  	s10 =	sld [smem:$0x3FAD];
	_ =	sdelay $0x3  }
0x36: {  	p1 =	seq.s32 s10, $0x1;
	s10 =	sld [smem:$0x3FAE];
	_ =	sdelay $0x3  }
0x37: {  	[smem:$0x3FAE] =	sst s10  }
0x38: {  	s10 =	sld [smem:$0x3FAF]  }
0x39: {  	_ = 	snop;
	(pc) =	sbr.ind lr, $3  }
0x3a: {  	_ = 	snop  }
0x3b: {  	_ = 	snop  }
0x3c: {  	p2 =	seq.s32 s10, $0x1;
	s10 =	sld [smem:$0x3FAE]  }
0x3d: {  	_ =	shalt  }
0x3e: {  	_ =	shalt  }
0x3f: {  	_ =	shalt  }
0x40: {  	_ =	shalt  }
0x41: {  	_ =	shalt  }
0x42: {  	_ =	shalt  }
0x43: {  	_ =	shalt  }
0x44: {  	_ =	shalt  }
0x45: {  	_ =	shalt  }
0x46: {  	_ =	shalt  }
0x47: {  	_ =	shalt  }
0x48: {  	_ =	shalt  }
0x49: {  	_ =	shalt  }
0x4a: {  	_ =	shalt  }
0x4b: {  	_ =	shalt  }
0x4c: {  	_ =	shalt  }
0x4d: {  	_ =	shalt  }
0x4e: {  	_ =	shalt  }
0x4f: {  	_ =	shalt  }
0x50: {  	_ =	shalt  }
0x51: {  	_ =	shalt  }
0x52: {  	_ =	shalt  }
0x53: {  	_ =	shalt  }
0x54: {  	_ =	shalt  }
0x55: {  	_ =	shalt  }
0x56: {  	_ =	shalt  }
0x57: {  	_ =	shalt  }
0x58: {  	_ =	shalt  }
0x59: {  	_ =	shalt  }
0x5a: {  	_ =	shalt  }
0x5b: {  	_ =	shalt  }
0x5c: {  	_ =	shalt  }
0x5d: {  	_ =	shalt  }
0x5e: {  	_ =	shalt  }
0x5f: {  	_ =	shalt  }
0x60: {  	_ =	shalt  }
0x61: {  	_ =	shalt  }
0x62: {  	_ =	shalt  }
0x63: {  	_ =	shalt  }
0x64: {  	_ =	shalt  }
0x65: {  	_ =	shalt  }
0x66: {  	_ =	shalt  }
0x67: {  	_ =	shalt  }
0x68: {  	_ =	shalt  }
0x69: {  	_ =	shalt  }
0x6a: {  	_ =	shalt  }
0x6b: {  	_ =	shalt  }
0x6c: {  	_ =	shalt  }
0x6d: {  	_ =	shalt  }
0x6e: {  	_ =	shalt  }
0x6f: {  	_ =	shalt  }
0x70: {  	_ =	shalt  }
0x71: {  	_ =	shalt  }
0x72: {  	_ =	shalt  }
0x73: {  	_ =	shalt  }
0x74: {  	_ =	shalt  }
0x75: {  	_ =	shalt  }
0x76: {  	_ =	shalt  }
0x77: {  	_ =	shalt  }
0x78: {  	_ =	shalt  }
0x79: {  	_ =	shalt  }
0x7a: {  	_ =	shalt  }
0x7b: {  	_ =	shalt  }
0x7c: {  	_ =	shalt  }
0x7d: {  	_ =	shalt  }
0x7e: {  	_ =	shalt  }
0x7f: {  	_ =	shalt  }
0x80: {  	_ =	shalt  }
0x81: {  	_ =	shalt  }
0x82: {  	_ =	shalt  }
0x83: {  	_ =	shalt  }
0x84: {  	_ =	shalt  }
0x85: {  	_ =	shalt  }
0x86: {  	_ =	shalt  }
0x87: {  	_ =	shalt  }
.Lfunc_end0:
.L_simem_size_0:
called_computation_lowered:
.L_overlay_start_0:
0x88: {  	s2 =	sld [smem:$0x3FD9]  }
0x89: {  	s3 =	sld [smem:$0x3FFE];
	_ =	sdelay $0x1  }
0x8a: {  	s1 =	srdreg.scid  }
0x8b: {  	s0 =	sand.u32 $0x1, s1  }
0x8c: {  	s17 =	sshll.u32 s0, $0xA;
	s2 =	sadd.s32 s3, s2  }
0x8d: {  	s2 =	sadd.s32 s2, s17  }
0x8e: {  	[smem:$0x3FBA] =	sst s2  }
0x8f: {  	_ = 	snop  }
0x90: {  	s2 =	sld [smem:$0x3FC8];
	(tm) =	ssettm $0x1  }
0x91: {  	s18 =	sld [smem:$0x3FFB];
	_ =	sdelay $0x3  }
0x92: {  	_ =	strace s18  }
0x93: {  	s3 =	sld [smem:$0x3FFC];
	_ =	sdelay $0x3  }
0x94: {  	_ =	strace s3  }
0x95: {  	s3 =	sld [smem:$0x3FFD];
	_ =	sdelay $0x3  }
0x96: {  	_ =	strace s3  }
0x97: {  	_ =	strace $0x8FFFFFFF  }
0x98: {  	s19 =	sld [smem:$0x3FDB];
	_ =	sdelay $0x1  }
0x99: {  	s4 =	simm.s32 $_scs_section_size  }
0x9a: {  	s5 =	simm.s32 $_size__tile_overlayer_lowered;
	s6 =	simm.s32 $_tile_overlayer_lowered  }
0x9b: {  	s22 =	simm.s32 $0x1BFF;
	s21 =	sshll.u32 s6, $0x1;
	s3 =	sadd.s32 s4, s19  }
0x9c: {  	s7 =	simm.s32 $0x0;
	s20 =	sshll.u32 s5, $0x1;
	s5 =	sadd.s32 s21, s3  }
0x9d: {  	[timem:s7], [sflag:s22] =	dma.local [hbm:s5], s20  }
0x9e: {  	_ =	swait.ge [sflag:s22], s20  }
0x9f: {  	s4 =	ssub.s32 $0x0, s20;
	[sflag:s22] =	ssyncset.done $0x0  }
0xa0: {  	[sflag:s22] =	ssyncadd.s32 s4;
	_ =	sdelay $0x1  }
0xa1: {  	s23 =	simm.s32 $0x1B8B  }
0xa2: {  	_ =	swait.ge [sflag:s23], $0x1  }
0xa3: {  	[sflag:s23] =	ssyncset.done $0x0  }
0xa4: {  	s25 =	simm.s32 $0x1B8E;
	s24 =	sld [smem:$0x3FFE];
	[sflag:s23] =	ssyncadd.s32 $0xFFFFFFFF  }
0xa5: {  	s26 =	simm.s32 $execute0_lowered;
	[smem:$0x3FD2] =	sst s25  }
0xa6: {  	s5 =	sshll.u32 s26, $0x1;
	_ =	strace $0x80000046;
	[dreg:$0x1] =	wrdreg $0xFFFFFFFF  }
0xa7: {  	s28 =	simm.s32 $_size_execute0_lowered;
	s3 =	sadd.s32 s3, s5;
	[dreg:$0x0] =	wrdreg $0x0  }
0xa8: {  	s5 =	sshll.u32 s28, $0x1;
	[dreg:$0x2] =	wrdreg s3  }
0xa9: {  	[dreg:$0x3] =	wrdreg s5  }
0xaa: {  	[dreg:$0x4] =	wrdreg $0xC0  }
0xab: {  	_ =	task [dreg:s7], $0x5FFFF  }
0xac: {  	[dreg:$0x1] =	wrdreg $0xFFFFFFFF  }
0xad: {  	[dreg:$0x0] =	wrdreg $0x60  }
0xae: {  	[dreg:$0x2] =	wrdreg s2  }
0xaf: {  	[dreg:$0x3] =	wrdreg s24  }
0xb0: {  	[dreg:$0x4] =	wrdreg $0x9  }
0xb1: {  	_ =	task.clear_ibuf [dreg:s7], $0x5FFFF;
	_ =	strace $0x90000046  }
0xb2: {  	s29 =	simm.s32 $0x9;
	_ =	strace $0x80000048  }
0xb3: {  	_ =	swait.ge [sflag:s29], $0x1  }
0xb4: {  	[sflag:s29] =	ssyncadd.s32 $0xFFFFFFFF  }
0xb5: {  	_ =	strace $0x90000048  }
0xb6: {  	_ =	sfence  }
0xb7: {  	s30 =	sld [smem:$0x0];
	_ =	sdelay $0x2  }
0xb8: {  	s31 =	sshll.u32 s1, $0xD;
	s1 =	sshrl.u32 s1, $0x2  }
0xb9: {  	s3 =	sand.u32 $0x4000, s31;
	s1 =	sadd.s32 s1, s30  }
0xba: {  	s0 =	sor.u32 s3, s0;
	s1 =	sshll.u32 s1, $0x11  }
0xbb: {  	s0 =	sor.u32 s1, s0  }
0xbc: {  	s0 =	sadd.s32 $0x8F2B, s0  }
0xbd: {  	[sflag:s0] =	ssyncadd.remote.s32 $0x1  }
0xbe: {  	_ =	sfence.sel $0xFFFF  }
0xbf: {  	[dreg:$0x0] =	wrdreg $0xFFFFFFFF;
	(pc) =	sbr.abs _section_cstart, $3  }
0xc0: {  	[dreg:$0x1] =	wrdreg $0xFFFFFFFF  }
0xc1: {  	_ =	task.clear_ibuf [dreg:s7], $0x2FFFF;
	_ =	strace $0x9FFFFFFF  }
0xc2: {  	(tm) =	ssettm $0x7FFFFFFF  }
0xc3: {  	_ =	shalt  }
tec
execute0_lowered:
.L_overlay_start_1:
0x0: {  	(tag) =	ssettag $0x1  }
0x1: {  	s1 =	srdreg.scid;
	s2 =	rddreg [dreg:$0x0]  }
0x2: {  	s0 =	stileid.u32;
	s5 =	rddreg [dreg:$0x1];
	s6 =	simm.s32 $0x1  }
0x3: {  	s9 =	simm.s32 $0x1;
	s10 =	simm.s32 $0x3;
	s1 =	sshll.u32 s1, $0x8  }
0x4: {  	s13 =	simm.s32 $0x0;
	s3 =	sshll.u32 s0, $0x9;
	s4 =	sand.u32 $0x100, s1  }
0x5: {  	s12 =	simm.s32 $0x0;
	s1 =	rddreg [dreg:$0x2];
	s3 =	sor.u32 s3, s4  }
0x6: {  	_ =	strace $0x80000047;
	s4 =	sadd.s32 $0x3200, s5;
	s8 =	ssub.s32 $0x4000, s3  }
.Ltmp0:
0x7: {  	s5 =	sadd.s32 $0xC7C00, s5;
	s7 =	sand.u32 $0x1F00, s8;
	(pc) =	sbr.rel .LBB2_1-.Ltmp0, $4  }
0x8: {  	[sflag:s6] =	ssyncpa.u1 $0x0;
	s11 =	smov.u32 s3;
	p0 =	sne.s32 s7, $0x0  }
0x9: {  	s8 =	sshrl.u32 s8, $0xD;
	s7 =	simm.s32 $0x2;
	s9 =	simm.s32 @!p0 $0x0  }
0xa: {  	[sflag:s7] =	ssyncpa.u1 $0x0;
	p0 =	por $0x0, $0x0;
	s8 =	sadd.s32 s9, s8  }
0xb: {  	vm0 =	vmmov $0xffff;
	[sflag:s10] =	ssyncpa.u1 $0x0;
	s10 =	simm.s32 $0x0;
	s9 =	sadd.s32 $0x1, s8  }
.LBB2_4:
0xc: {  	v3 =	vand.u32 $0x3FF, v0;
	v2 =	vand.u32 $0xF, v2;
	v62 =	vshll.u32 v0, $0x4  }
0xd: {  	v3 =	vsel vm1, $0xFFFFFFFF, v3;
	v2 =	vsel vm1, $0xFFFFFFFF, v2;
	v0 =	vand.u32 $0xFFC000, v62  }
0xe: {  	v4 =	vand.u32 $0x7F, v3;
	v0 =	vsel vm1, $0xFFFFC000, v0;
	v3 =	vshll.u32 v3, $0x3  }
0xf: {  	v5 =	vshll.u32 v2, $0xA;
	v3 =	vand.u32 $0xFFFFFC00, v3;
	v0 =	vor.u32 v0, v4  }
0x10: {  	v2 =	vshll.u32 v2, $0x7;
	v63 =	vand.u32 $0xFFFFE000, v5;
	v0 =	vadd.s32 v3, v0  }
0x11: {  	v2 =	vand.u32 $0x380, v2;
	v0 =	vadd.s32 v63, v0  }
0x12: {  	v0 =	vor.u32 v2, v0;
	_ =	sdelay $0x1  }
0x13: {  	(ifvalue) =	ssetifvalue $0x7FFFFFFF;
	s14 =	sadd.s32 $0x10, s14  }
0x14: {  	[tilespmem:s14], [sflag:$0x1] =	stream.indirect_vreg.gather [hbm4b:s2+s10], $0x1, v1, vm0, $0x4038;
	[tilespmem:$0x400] =	vst v63  }
0x15: {  	(ifvalue) =	ssetifvalue $0x7FFFFFFF;
	s14 =	sadd.s32 $0x10, s14  }
0x16: {  	[tilespmem:s14], [sflag:$0x1] =	stream.indirect_vreg.gather [hbm4b:s2+s10], $0x1, v0, vm0, $0x4038;
	[tilespmem:$0x400] =	vst v63  }
0x17: {  	_ =	swait.ge [sflag:s6], $0x100  }
0x18: {  	s30 =	sshrl.u32 s13, $0x3;
	[sflag:s6] =	ssyncset.done $0x0  }
0x19: {  	s31 =	sand.u32 $0x7, s13;
	s14 =	sadd.s32 s5, s30;
	[sflag:s6] =	ssyncadd.s32 $0xFFFFFF00  }
0x1a: {  	[hbm4b:s14+s31] =	stream.linear.scatter [tilespmem:s15], [sflag:$0x3], $0x100, $0x38;
	[tilespmem:$0x400] =	vst v63  }
.LBB2_5:
0x1b: {  	s15 =	sadd.s32 $0x2000, s11  }
0x1c: {  	p2 =	sgt.s32 s15, $0x3FFF  }
0x1d: {  	s15 =	smov.u32 @p2 s3;
	p2 =	sne.s32 s12, s9  }
.Ltmp1:
0x1e: {  	p1 =	slt.u32 s12, $0x2;
	(pc) =	sbr.rel @!p2 .LBB2_6-.Ltmp1, $4  }
0x1f: {  	s14 =	simm.s32 @!p1 $0x3  }
0x20: {  	s16 =	sadd.s32 $0x1, s12;
	_ =	swait.ge @!p1 [sflag:s14], $0x100  }
0x21: {  	s13 =	smov.u32 s11;
	p0 =	por !p0, !p0;
	[sflag:s14] =	ssyncset.done @!p1 $0x0  }
0x22: {  	s12 =	smov.u32 s16;
	s11 =	smov.u32 s15;
	[sflag:s14] =	ssyncadd.s32 @!p1 $0xFFFFFF00  }
.LBB2_1:
0x23: {  	p1 =	sge.u32 s12, s8  }
0x24: {  	s14 =	sxor.u32 @!p1 $0xFFFFFFFF, s12  }
0x25: {  	s31 =	sadd.s32 $0xFFFFFFFF, s12;
	s15 =	sshrl.u32 @!p1 s11, $0x3;
	s14 =	sshll.u32 @!p1 s14, $0x8  }
0x26: {  	s16 =	sand.u32 @!p1 $0x7, s11;
	s15 =	sadd.s32 @!p1 s4, s15;
	s14 =	sand.u32 @!p1 $0x100, s14  }
0x27: {  	[tilespmem:s14], [sflag:$0x2] =	stream.linear.gather @!p1 [hbm4b:s15+s16], $0x100, $0x38;
	[tilespmem:$0x400] =	vst v63  }
0x28: {  	p1 =	sge.u32 s31, s8  }
.Ltmp2:
0x29: {  	_ = 	snop;
	(pc) =	sbr.rel @p1 .LBB2_5-.Ltmp2, $1  }
0x2a: {  	_ =	sdelay $0x3  }
0x2b: {  	s14 =	simm.s32 $0x1  }
0x2c: {  	_ =	swait.ge [sflag:s7], $0x100;
	s14 =	simm.s32 @!p0 $0x0  }
0x2d: {  	[sflag:s7] =	ssyncset.done $0x0;
	s14 =	sshll.u32 s14, $0x8  }
0x2e: {  	[sflag:s7] =	ssyncadd.s32 $0xFFFFFF00;
	(ifvalue) =	ssetifvalue $0x7FFFFFFF;
	v0 =	vld.msk [tilespmem:s14+$0x0 ss:$0x1], $0xffff;
	_ =	sdelay $0x1  }
0x2f: {  	s15 =	sadd.s32 $0x10, s14  }
0x30: {  	v3 =	vld.msk [tilespmem:s15+$0x0 ss:$0x1], $0xffff;
	_ =	sdelay $0x1  }
0x31: {  	vm1 =	veq.s32 v0, $0x80000000  }
0x32: {  	v1 =	vshrl.u32 v0, $0x14;
	v2 =	vand.u32 $0x3FF, v0;
	v0 =	vshll.u32 v0, $0x4  }
0x33: {  	v1 =	vand.u32 $0xF, v1;
	v2 =	vsel vm1, $0xFFFFFFFF, v2;
	v0 =	vand.u32 $0xFFC000, v0  }
0x34: {  	v61 =	vand.u32 $0x3FF, v3;
	v1 =	vsel vm1, $0xFFFFFFFF, v1;
	v4 =	vand.u32 $0x7F, v2  }
0x35: {  	v0 =	vsel vm1, $0xFFFFC000, v0;
	v2 =	vshll.u32 v2, $0x3;
	vm1 =	veq.s32 v3, $0x80000000  }
0x36: {  	v5 =	vshll.u32 v1, $0xA;
	v2 =	vand.u32 $0xFFFFFC00, v2;
	v0 =	vor.u32 v0, v4  }
0x37: {  	v1 =	vshll.u32 v1, $0x7;
	v60 =	vand.u32 $0xFFFFE000, v5;
	v0 =	vadd.s32 v2, v0  }
0x38: {  	v4 =	vsel vm1, $0xFFFFFFFF, v61;
	v1 =	vand.u32 $0x380, v1;
	v0 =	vadd.s32 v60, v0  }
0x39: {  	s17 =	sadd.s32 $0x10, s15;
	v2 =	vshrl.u32 v3, $0x14;
	v3 =	vshll.u32 v3, $0x4;
	v1 =	vor.u32 v1, v0  }
0x3a: {  	v62 =	vand.u32 $0x7F, v4;
	v2 =	vand.u32 $0xF, v2;
	v3 =	vand.u32 $0xFFC000, v3;
	v0 =	vld.msk [tilespmem:s17+$0x0 ss:$0x1], $0xffff  }
0x3b: {  	v4 =	vshll.u32 v4, $0x3;
	v2 =	vsel vm1, $0xFFFFFFFF, v2;
	v3 =	vsel vm1, $0xFFFFC000, v3  }
0x3c: {  	s31 =	sshll.u32 s12, $0x8;
	v4 =	vand.u32 $0xFFFFFC00, v4;
	v6 =	vshll.u32 v2, $0xA;
	v3 =	vor.u32 v3, v62  }
0x3d: {  	s14 =	sor.u32 $0x200, s14;
	s15 =	sand.u32 $0x100, s31;
	(ifvalue) =	ssetifvalue $0x7FFFFFFF;
	v2 =	vshll.u32 v2, $0x7;
	v63 =	vand.u32 $0xFFFFE000, v6;
	v3 =	vadd.s32 v4, v3  }
0x3e: {  	v3 =	vadd.s32 v63, v3;
	[tilespmem:s14], [sflag:$0x1] =	stream.indirect_vreg.gather [hbm4b:s2+s10], $0x1, v1, vm0, $0x4038;
	v1 =	vand.u32 $0x380, v2;
	[tilespmem:$0x400] =	vst v63  }
0x3f: {  	s16 =	simm.s32 $0x20;
	s15 =	sor.u32 $0x200, s15;
	s17 =	sadd.s32 $0x10, s17;
	vm1 =	veq.s32 v0, $0x80000000;
	v2 =	vshrl.u32 v0, $0x14;
	v1 =	vor.u32 v1, v3  }
.LBB2_3:
0x40: {  	v3 =	vand.u32 $0x3FF, v0;
	v2 =	vand.u32 $0xF, v2;
	v4 =	vshll.u32 v0, $0x4;
	v0 =	vld.msk [tilespmem:s17+$0x0 ss:$0x1], $0xffff;
	s16 =	sadd.s32 $0x10, s16  }
0x41: {  	v3 =	vsel vm1, $0xFFFFFFFF, v3;
	v2 =	vsel vm1, $0xFFFFFFFF, v2;
	v4 =	vand.u32 $0xFFC000, v4;
	p1 =	slt.u32 s16, $0xF0  }
.Ltmp3:
0x42: {  	v5 =	vand.u32 $0x7F, v3;
	v4 =	vsel vm1, $0xFFFFC000, v4;
	v3 =	vshll.u32 v3, $0x3;
	(pc) =	sbr.rel @p1 .LBB2_3-.Ltmp3, $4  }
0x43: {  	s14 =	sadd.s32 $0x10, s14;
	v6 =	vshll.u32 v2, $0xA;
	v3 =	vand.u32 $0xFFFFFC00, v3;
	v4 =	vor.u32 v4, v5;
	(ifvalue) =	ssetifvalue $0x7FFFFFFF  }
0x44: {  	v2 =	vshll.u32 v2, $0x7;
	v5 =	vand.u32 $0xFFFFE000, v6;
	v3 =	vadd.s32 v3, v4;
	[tilespmem:s14], [sflag:$0x1] =	stream.indirect_vreg.gather [hbm4b:s2+s10], $0x1, v1, vm0, $0x4038;
	[tilespmem:$0x400] =	vst v63  }
0x45: {  	v1 =	vand.u32 $0x380, v2;
	v3 =	vadd.s32 v5, v3  }
0x46: {  	s17 =	sadd.s32 $0x10, s17;
	vm1 =	veq.s32 v0, $0x80000000;
	v2 =	vshrl.u32 v0, $0x14;
	v1 =	vor.u32 v1, v3  }
.Ltmp4:
0x47: {  	_ = 	snop;
	(pc) =	sbr.rel .LBB2_4-.Ltmp4, $1  }
0x48: {  	_ =	sdelay $0x3  }
.LBB2_6:
0x49: {  	_ =	sfence.sel $0x180000  }
0x4a: {  	s2 =	simm.s32 $0x2;
	[bflag:$0x0] =	sbarrier.arrive $0xFFFF  }
0x4b: {  	s30 =	simm.s32 $0x3;
	[sflag:s2] =	ssyncpa.u1 $0x1  }
0x4c: {  	s31 =	simm.s32 $0x1;
	[sflag:s30] =	ssyncpa.u1 $0x1  }
0x4d: {  	[sflag:s31] =	ssyncpa.u1 $0x1  }
0x4e: {  	p0 =	sne.s32 s0, $0x0;
	_ =	strace $0x90000047  }
0x4f: {  	s0 =	sadd.s32 @!p0 $0x100000, s1;
	[bflag:$0x2] =	sbarrier.arrive $0xFFFF  }
0x50: {  	[sflag:s0] =	ssyncadd.tile.s32 @!p0 $0x1;
	_ =	shalt  }
.Lfunc_end2:
_tile_overlayer_lowered:
.L_overlay_start_2:
0x51: {  	(tag) =	ssettag $0x2  }
0x52: {  	s0 =	rddreg [dreg:$0x0];
	s2 =	stileid.u32  }
0x53: {  	s1 =	rddreg [dreg:$0x1];
	p0 =	sne.s32 s2, $0x0  }
0x54: {  	s3 =	rddreg [dreg:$0x2];
	[bflag:$0x3] =	sbarrier.arrive $0xFFFF;
	s2 =	simm.s32 @!p0 $0x1C01  }
0x55: {  	[timem:s3], [sflag:s2] =	dma.local @!p0 [hbm:s0], s1  }
0x56: {  	s0 =	simm.s32 @!p0 $0x1  }
0x57: {  	_ =	swait.ge @!p0 [sflag:s0], s1  }
0x58: {  	s1 =	ssub.s32 @!p0 $0x0, s1;
	[sflag:s0] =	ssyncset.done @!p0 $0x0  }
0x59: {  	[sflag:s0] =	ssyncadd.s32 @!p0 s1  }
0x5a: {  	[bflag:$0x3] =	sbarrier.arrive $0xFFFF  }
0x5b: {  	_ =	shalt  }

</sc_bundles>
